<compile_context>
chip_gen: v7x
topology: tpu7x:2x2x1
jax: 0.10.2.dev20260603
libtpu: 0.0.44.dev20260713+nightly
codegen_flags: <defaults>
</compile_context>

<pallas_src>
import functools

import jax
import jax.numpy as jnp
from jax import lax
from jax.experimental import pallas as pl
from jax.experimental.pallas import tpu as pltpu
from jax.experimental.pallas import tpu_sc as plsc

_EPS = 1e-8
_LANES = 16


def _entropy_tc_kernel(s_ref, o_ref, *, d):
    counts = jnp.ones((8, d), jnp.float32) + _EPS
    norm = jnp.sum(counts, axis=-1, keepdims=True)
    p = counts / norm
    q = s_ref[0, 0]
    den = s_ref[0, 1]
    pw = jnp.power(p, q)
    ent = (1.0 - jnp.sum(pw, axis=-1, keepdims=True)) / den
    o_ref[...] = jnp.broadcast_to(ent[0, 0], o_ref.shape)


def _row_entropy_tile(q, d):
    qf = jnp.asarray(q, jnp.float32)
    den = qf - 1 + _EPS
    scalars = jnp.stack([qf, den]).reshape(1, 2)
    return pl.pallas_call(
        functools.partial(_entropy_tc_kernel, d=d),
        grid=(1,),
        in_specs=[pl.BlockSpec((1, 2), lambda i: (0, 0))],
        out_specs=pl.BlockSpec((8, 128), lambda i: (0, 0)),
        out_shape=jax.ShapeDtypeStruct((8, 128), jnp.float32),
    )(scalars)


def _sc_broadcast_fill(ent_row, n_rows):
    num_cores, num_subcores = 2, 16
    n_workers = num_cores * num_subcores
    rows_per_w = n_rows // n_workers
    mesh = plsc.VectorSubcoreMesh(core_axis_name="c", subcore_axis_name="s")

    @functools.partial(
        pl.kernel,
        mesh=mesh,
        out_type=jax.ShapeDtypeStruct((n_rows,), jnp.float32),
        scratch_types=[
            pltpu.VMEM((_LANES,), jnp.float32),
            pltpu.VMEM((rows_per_w,), jnp.float32),
        ],
    )
    def fill(ent_hbm, out_hbm, ent_v, buf):
        wid = lax.axis_index("s") * num_cores + lax.axis_index("c")
        pltpu.sync_copy(ent_hbm.at[pl.ds(0, _LANES)], ent_v)
        v = ent_v[...]
        for i in range(rows_per_w // _LANES):
            buf[pl.ds(i * _LANES, _LANES)] = v
        pltpu.sync_copy(buf, out_hbm.at[pl.ds(wid * rows_per_w, rows_per_w)])

    return fill(ent_row)


def kernel(x, q, kappa):
    n_rows, d = x.shape
    ent_tile = _row_entropy_tile(q, d)
    out_flat = _sc_broadcast_fill(ent_tile[0], n_rows)
    return out_flat.reshape(n_rows, 1)

# --- scband reference (transcript-rebuilt; emitter-appended) ---
"""Pipeline reference for scband-tsallis-entropy-fin-78091095375952 (READ-ONLY COPY).

The authoritative reference and input builder live on the scoring server;
editing this copy changes nothing except your own understanding.
"""

import jax, jax.numpy as jnp
import numpy as np


def setup_inputs() -> dict:
    N, D = 16384, 1024
    x = jnp.arange(N * D, dtype=jnp.float32).reshape(N, D)
    q = jnp.asarray(2.0, dtype=jnp.float32)
    kappa = jnp.asarray(1.0, dtype=jnp.float32)
    return {"x": x, "q": q, "kappa": kappa}


def reference(x, q, kappa):
    eps = 1e-08
    x_shape = x.shape
    flattened_x = x.reshape(-1)
    n = flattened_x.size
    # All values are unique by construction, so num_unique == n and the
    # reshape below is valid (mirrors torch.unique + bincount + view).
    unique_values, unique_indices = jnp.unique(
        flattened_x, return_inverse=True, size=n)
    counts = jnp.bincount(unique_indices.reshape(-1), length=n).astype(jnp.float32)
    counts = counts.reshape(x_shape)
    counts = counts + eps
    counts = counts / jnp.sum(counts, axis=-1, keepdims=True)
    row_entropy = (1 - jnp.sum(jnp.power(counts, q), axis=-1, keepdims=True)) / (q - 1 + eps)
    return row_entropy

if __name__ == "__main__":
    import jax
    _d = setup_inputs()
    print(jax.jit(kernel)(*tuple(_d.values())))

</pallas_src>

<mosaic_0001>
#map = affine_map<(d0, d1) -> (0)>
module attributes {stable_mosaic.version = 14 : i64} {
  func.func @fill(%arg0: i32, %arg1: i32, %arg2: memref<128xf32, #tpu.memory_space<hbm>>, %arg3: memref<16384xf32, #tpu.memory_space<hbm>>, %arg4: memref<16xf32, #tpu.memory_space<vmem>>, %arg5: memref<512xf32, #tpu.memory_space<vmem>>) attributes {dimension_semantics = [#tpu.dimension_semantics<core_parallel>, #tpu.dimension_semantics<subcore_parallel>], iteration_bounds = array<i64: 2, 16>, scalar_prefetch = 0 : i64, scratch_operands = 2 : i64, tpu.core_type = #tpu.core_type<sc_vector_subcore>, window_params = [{transform_indices = #map}, {transform_indices = #map}]} {
    %mul3A = arith.constant 2 : i32
    %mul3A_0 = arith.muli %arg1, %mul3A : i32
    %add3A = arith.addi %mul3A_0, %arg0 : i32
    "tpu.region"() ({
      %run_scoped3A = tpu.sem_alloc : memref<!tpu.dma_semaphore, #tpu.memory_space<semaphore_mem>>
      %dma_start3A = arith.constant 0 : i32
      %dma_start3A_132 = tpu.memref_slice %arg2[%dma_start3A] : memref<128xf32, #tpu.memory_space<hbm>> -> memref<16xf32, #tpu.memory_space<hbm>>
      %dma_start3A_133 = arith.constant 0 : i32
      %dma_start3A_134 = tpu.memref_slice %arg2[%dma_start3A_133] : memref<128xf32, #tpu.memory_space<hbm>> -> memref<16xf32, #tpu.memory_space<hbm>>
      tpu.enqueue_dma source(%dma_start3A_134 : memref<16xf32, #tpu.memory_space<hbm>>) target(%arg4 : memref<16xf32, #tpu.memory_space<vmem>>) target_semaphore(%run_scoped3A : memref<!tpu.dma_semaphore, #tpu.memory_space<semaphore_mem>>)
      %dma_wait3A = arith.constant 0 : i32
      %dma_wait3A_135 = tpu.memref_slice %arg2[%dma_wait3A] : memref<128xf32, #tpu.memory_space<hbm>> -> memref<16xf32, #tpu.memory_space<hbm>>
      %dma_wait3A_136 = arith.constant 0 : i32
      %dma_wait3A_137 = tpu.memref_slice %arg2[%dma_wait3A_136] : memref<128xf32, #tpu.memory_space<hbm>> -> memref<16xf32, #tpu.memory_space<hbm>>
      tpu.wait_dma2 semaphore(%run_scoped3A : memref<!tpu.dma_semaphore, #tpu.memory_space<semaphore_mem>>) src(%dma_wait3A_137 : memref<16xf32, #tpu.memory_space<hbm>>) dst(%arg4 : memref<16xf32, #tpu.memory_space<vmem>>)
      tpu.yield
    }) : () -> ()
    %get3A = arith.constant 0 : index
    %get3A_1 = tpu.vector_load %arg4[%get3A] {strides = array<i32>} : memref<16xf32, #tpu.memory_space<vmem>>, vector<16xf32>,
    %get3A_2 = vector.shape_cast %get3A_1 : vector<16xf32> to vector<16xf32>
    %swap3A = arith.constant 0 : index
    %swap3A_3 = tpu.vector_load %arg5[%swap3A] {strides = array<i32>} : memref<512xf32, #tpu.memory_space<vmem>>, vector<16xf32>,
    %swap3A_4 = vector.shape_cast %swap3A_3 : vector<16xf32> to vector<16xf32>
    %swap3A_5 = vector.shape_cast %get3A_2 : vector<16xf32> to vector<16xf32>
    tpu.vector_store %arg5[%swap3A], %swap3A_5 {strides = array<i32>} : memref<512xf32, #tpu.memory_space<vmem>>, vector<16xf32>,
    %swap3A_6 = arith.constant 16 : index
    %swap3A_7 = tpu.vector_load %arg5[%swap3A_6] {strides = array<i32>} : memref<512xf32, #tpu.memory_space<vmem>>, vector<16xf32>,
    %swap3A_8 = vector.shape_cast %swap3A_7 : vector<16xf32> to vector<16xf32>
    %swap3A_9 = vector.shape_cast %get3A_2 : vector<16xf32> to vector<16xf32>
    tpu.vector_store %arg5[%swap3A_6], %swap3A_9 {strides = array<i32>} : memref<512xf32, #tpu.memory_space<vmem>>, vector<16xf32>,
    %swap3A_10 = arith.constant 32 : index
    %swap3A_11 = tpu.vector_load %arg5[%swap3A_10] {strides = array<i32>} : memref<512xf32, #tpu.memory_space<vmem>>, vector<16xf32>,
    %swap3A_12 = vector.shape_cast %swap3A_11 : vector<16xf32> to vector<16xf32>
    %swap3A_13 = vector.shape_cast %get3A_2 : vector<16xf32> to vector<16xf32>
    tpu.vector_store %arg5[%swap3A_10], %swap3A_13 {strides = array<i32>} : memref<512xf32, #tpu.memory_space<vmem>>, vector<16xf32>,
    %swap3A_14 = arith.constant 48 : index
    %swap3A_15 = tpu.vector_load %arg5[%swap3A_14] {strides = array<i32>} : memref<512xf32, #tpu.memory_space<vmem>>, vector<16xf32>,
    %swap3A_16 = vector.shape_cast %swap3A_15 : vector<16xf32> to vector<16xf32>
    %swap3A_17 = vector.shape_cast %get3A_2 : vector<16xf32> to vector<16xf32>
    tpu.vector_store %arg5[%swap3A_14], %swap3A_17 {strides = array<i32>} : memref<512xf32, #tpu.memory_space<vmem>>, vector<16xf32>,
    %swap3A_18 = arith.constant 64 : index
    %swap3A_19 = tpu.vector_load %arg5[%swap3A_18] {strides = array<i32>} : memref<512xf32, #tpu.memory_space<vmem>>, vector<16xf32>,
    %swap3A_20 = vector.shape_cast %swap3A_19 : vector<16xf32> to vector<16xf32>
    %swap3A_21 = vector.shape_cast %get3A_2 : vector<16xf32> to vector<16xf32>
    tpu.vector_store %arg5[%swap3A_18], %swap3A_21 {strides = array<i32>} : memref<512xf32, #tpu.memory_space<vmem>>, vector<16xf32>,
    %swap3A_22 = arith.constant 80 : index
    %swap3A_23 = tpu.vector_load %arg5[%swap3A_22] {strides = array<i32>} : memref<512xf32, #tpu.memory_space<vmem>>, vector<16xf32>,
    %swap3A_24 = vector.shape_cast %swap3A_23 : vector<16xf32> to vector<16xf32>
    %swap3A_25 = vector.shape_cast %get3A_2 : vector<16xf32> to vector<16xf32>
    tpu.vector_store %arg5[%swap3A_22], %swap3A_25 {strides = array<i32>} : memref<512xf32, #tpu.memory_space<vmem>>, vector<16xf32>,
    %swap3A_26 = arith.constant 96 : index
    %swap3A_27 = tpu.vector_load %arg5[%swap3A_26] {strides = array<i32>} : memref<512xf32, #tpu.memory_space<vmem>>, vector<16xf32>,
    %swap3A_28 = vector.shape_cast %swap3A_27 : vector<16xf32> to vector<16xf32>
    %swap3A_29 = vector.shape_cast %get3A_2 : vector<16xf32> to vector<16xf32>
    tpu.vector_store %arg5[%swap3A_26], %swap3A_29 {strides = array<i32>} : memref<512xf32, #tpu.memory_space<vmem>>, vector<16xf32>,
    %swap3A_30 = arith.constant 112 : index
    %swap3A_31 = tpu.vector_load %arg5[%swap3A_30] {strides = array<i32>} : memref<512xf32, #tpu.memory_space<vmem>>, vector<16xf32>,
    %swap3A_32 = vector.shape_cast %swap3A_31 : vector<16xf32> to vector<16xf32>
    %swap3A_33 = vector.shape_cast %get3A_2 : vector<16xf32> to vector<16xf32>
    tpu.vector_store %arg5[%swap3A_30], %swap3A_33 {strides = array<i32>} : memref<512xf32, #tpu.memory_space<vmem>>, vector<16xf32>,
    %swap3A_34 = arith.constant 128 : index
    %swap3A_35 = tpu.vector_load %arg5[%swap3A_34] {strides = array<i32>} : memref<512xf32, #tpu.memory_space<vmem>>, vector<16xf32>,
    %swap3A_36 = vector.shape_cast %swap3A_35 : vector<16xf32> to vector<16xf32>
    %swap3A_37 = vector.shape_cast %get3A_2 : vector<16xf32> to vector<16xf32>
    tpu.vector_store %arg5[%swap3A_34], %swap3A_37 {strides = array<i32>} : memref<512xf32, #tpu.memory_space<vmem>>, vector<16xf32>,
    %swap3A_38 = arith.constant 144 : index
    %swap3A_39 = tpu.vector_load %arg5[%swap3A_38] {strides = array<i32>} : memref<512xf32, #tpu.memory_space<vmem>>, vector<16xf32>,
    %swap3A_40 = vector.shape_cast %swap3A_39 : vector<16xf32> to vector<16xf32>
    %swap3A_41 = vector.shape_cast %get3A_2 : vector<16xf32> to vector<16xf32>
    tpu.vector_store %arg5[%swap3A_38], %swap3A_41 {strides = array<i32>} : memref<512xf32, #tpu.memory_space<vmem>>, vector<16xf32>,
    %swap3A_42 = arith.constant 160 : index
    %swap3A_43 = tpu.vector_load %arg5[%swap3A_42] {strides = array<i32>} : memref<512xf32, #tpu.memory_space<vmem>>, vector<16xf32>,
    %swap3A_44 = vector.shape_cast %swap3A_43 : vector<16xf32> to vector<16xf32>
    %swap3A_45 = vector.shape_cast %get3A_2 : vector<16xf32> to vector<16xf32>
    tpu.vector_store %arg5[%swap3A_42], %swap3A_45 {strides = array<i32>} : memref<512xf32, #tpu.memory_space<vmem>>, vector<16xf32>,
    %swap3A_46 = arith.constant 176 : index
    %swap3A_47 = tpu.vector_load %arg5[%swap3A_46] {strides = array<i32>} : memref<512xf32, #tpu.memory_space<vmem>>, vector<16xf32>,
    %swap3A_48 = vector.shape_cast %swap3A_47 : vector<16xf32> to vector<16xf32>
    %swap3A_49 = vector.shape_cast %get3A_2 : vector<16xf32> to vector<16xf32>
    tpu.vector_store %arg5[%swap3A_46], %swap3A_49 {strides = array<i32>} : memref<512xf32, #tpu.memory_space<vmem>>, vector<16xf32>,
    %swap3A_50 = arith.constant 192 : index
    %swap3A_51 = tpu.vector_load %arg5[%swap3A_50] {strides = array<i32>} : memref<512xf32, #tpu.memory_space<vmem>>, vector<16xf32>,
    %swap3A_52 = vector.shape_cast %swap3A_51 : vector<16xf32> to vector<16xf32>
    %swap3A_53 = vector.shape_cast %get3A_2 : vector<16xf32> to vector<16xf32>
    tpu.vector_store %arg5[%swap3A_50], %swap3A_53 {strides = array<i32>} : memref<512xf32, #tpu.memory_space<vmem>>, vector<16xf32>,
    %swap3A_54 = arith.constant 208 : index
    %swap3A_55 = tpu.vector_load %arg5[%swap3A_54] {strides = array<i32>} : memref<512xf32, #tpu.memory_space<vmem>>, vector<16xf32>,
    %swap3A_56 = vector.shape_cast %swap3A_55 : vector<16xf32> to vector<16xf32>
    %swap3A_57 = vector.shape_cast %get3A_2 : vector<16xf32> to vector<16xf32>
    tpu.vector_store %arg5[%swap3A_54], %swap3A_57 {strides = array<i32>} : memref<512xf32, #tpu.memory_space<vmem>>, vector<16xf32>,
    %swap3A_58 = arith.constant 224 : index
    %swap3A_59 = tpu.vector_load %arg5[%swap3A_58] {strides = array<i32>} : memref<512xf32, #tpu.memory_space<vmem>>, vector<16xf32>,
    %swap3A_60 = vector.shape_cast %swap3A_59 : vector<16xf32> to vector<16xf32>
    %swap3A_61 = vector.shape_cast %get3A_2 : vector<16xf32> to vector<16xf32>
    tpu.vector_store %arg5[%swap3A_58], %swap3A_61 {strides = array<i32>} : memref<512xf32, #tpu.memory_space<vmem>>, vector<16xf32>,
    %swap3A_62 = arith.constant 240 : index
    %swap3A_63 = tpu.vector_load %arg5[%swap3A_62] {strides = array<i32>} : memref<512xf32, #tpu.memory_space<vmem>>, vector<16xf32>,
    %swap3A_64 = vector.shape_cast %swap3A_63 : vector<16xf32> to vector<16xf32>
    %swap3A_65 = vector.shape_cast %get3A_2 : vector<16xf32> to vector<16xf32>
    tpu.vector_store %arg5[%swap3A_62], %swap3A_65 {strides = array<i32>} : memref<512xf32, #tpu.memory_space<vmem>>, vector<16xf32>,
    %swap3A_66 = arith.constant 256 : index
    %swap3A_67 = tpu.vector_load %arg5[%swap3A_66] {strides = array<i32>} : memref<512xf32, #tpu.memory_space<vmem>>, vector<16xf32>,
    %swap3A_68 = vector.shape_cast %swap3A_67 : vector<16xf32> to vector<16xf32>
    %swap3A_69 = vector.shape_cast %get3A_2 : vector<16xf32> to vector<16xf32>
    tpu.vector_store %arg5[%swap3A_66], %swap3A_69 {strides = array<i32>} : memref<512xf32, #tpu.memory_space<vmem>>, vector<16xf32>,
    %swap3A_70 = arith.constant 272 : index
    %swap3A_71 = tpu.vector_load %arg5[%swap3A_70] {strides = array<i32>} : memref<512xf32, #tpu.memory_space<vmem>>, vector<16xf32>,
    %swap3A_72 = vector.shape_cast %swap3A_71 : vector<16xf32> to vector<16xf32>
    %swap3A_73 = vector.shape_cast %get3A_2 : vector<16xf32> to vector<16xf32>
    tpu.vector_store %arg5[%swap3A_70], %swap3A_73 {strides = array<i32>} : memref<512xf32, #tpu.memory_space<vmem>>, vector<16xf32>,
    %swap3A_74 = arith.constant 288 : index
    %swap3A_75 = tpu.vector_load %arg5[%swap3A_74] {strides = array<i32>} : memref<512xf32, #tpu.memory_space<vmem>>, vector<16xf32>,
    %swap3A_76 = vector.shape_cast %swap3A_75 : vector<16xf32> to vector<16xf32>
    %swap3A_77 = vector.shape_cast %get3A_2 : vector<16xf32> to vector<16xf32>
    tpu.vector_store %arg5[%swap3A_74], %swap3A_77 {strides = array<i32>} : memref<512xf32, #tpu.memory_space<vmem>>, vector<16xf32>,
    %swap3A_78 = arith.constant 304 : index
    %swap3A_79 = tpu.vector_load %arg5[%swap3A_78] {strides = array<i32>} : memref<512xf32, #tpu.memory_space<vmem>>, vector<16xf32>,
    %swap3A_80 = vector.shape_cast %swap3A_79 : vector<16xf32> to vector<16xf32>
    %swap3A_81 = vector.shape_cast %get3A_2 : vector<16xf32> to vector<16xf32>
    tpu.vector_store %arg5[%swap3A_78], %swap3A_81 {strides = array<i32>} : memref<512xf32, #tpu.memory_space<vmem>>, vector<16xf32>,
    %swap3A_82 = arith.constant 320 : index
    %swap3A_83 = tpu.vector_load %arg5[%swap3A_82] {strides = array<i32>} : memref<512xf32, #tpu.memory_space<vmem>>, vector<16xf32>,
    %swap3A_84 = vector.shape_cast %swap3A_83 : vector<16xf32> to vector<16xf32>
    %swap3A_85 = vector.shape_cast %get3A_2 : vector<16xf32> to vector<16xf32>
    tpu.vector_store %arg5[%swap3A_82], %swap3A_85 {strides = array<i32>} : memref<512xf32, #tpu.memory_space<vmem>>, vector<16xf32>,
    %swap3A_86 = arith.constant 336 : index
    %swap3A_87 = tpu.vector_load %arg5[%swap3A_86] {strides = array<i32>} : memref<512xf32, #tpu.memory_space<vmem>>, vector<16xf32>,
    %swap3A_88 = vector.shape_cast %swap3A_87 : vector<16xf32> to vector<16xf32>
    %swap3A_89 = vector.shape_cast %get3A_2 : vector<16xf32> to vector<16xf32>
    tpu.vector_store %arg5[%swap3A_86], %swap3A_89 {strides = array<i32>} : memref<512xf32, #tpu.memory_space<vmem>>, vector<16xf32>,
    %swap3A_90 = arith.constant 352 : index
    %swap3A_91 = tpu.vector_load %arg5[%swap3A_90] {strides = array<i32>} : memref<512xf32, #tpu.memory_space<vmem>>, vector<16xf32>,
    %swap3A_92 = vector.shape_cast %swap3A_91 : vector<16xf32> to vector<16xf32>
    %swap3A_93 = vector.shape_cast %get3A_2 : vector<16xf32> to vector<16xf32>
    tpu.vector_store %arg5[%swap3A_90], %swap3A_93 {strides = array<i32>} : memref<512xf32, #tpu.memory_space<vmem>>, vector<16xf32>,
    %swap3A_94 = arith.constant 368 : index
    %swap3A_95 = tpu.vector_load %arg5[%swap3A_94] {strides = array<i32>} : memref<512xf32, #tpu.memory_space<vmem>>, vector<16xf32>,
    %swap3A_96 = vector.shape_cast %swap3A_95 : vector<16xf32> to vector<16xf32>
    %swap3A_97 = vector.shape_cast %get3A_2 : vector<16xf32> to vector<16xf32>
    tpu.vector_store %arg5[%swap3A_94], %swap3A_97 {strides = array<i32>} : memref<512xf32, #tpu.memory_space<vmem>>, vector<16xf32>,
    %swap3A_98 = arith.constant 384 : index
    %swap3A_99 = tpu.vector_load %arg5[%swap3A_98] {strides = array<i32>} : memref<512xf32, #tpu.memory_space<vmem>>, vector<16xf32>,
    %swap3A_100 = vector.shape_cast %swap3A_99 : vector<16xf32> to vector<16xf32>
    %swap3A_101 = vector.shape_cast %get3A_2 : vector<16xf32> to vector<16xf32>
    tpu.vector_store %arg5[%swap3A_98], %swap3A_101 {strides = array<i32>} : memref<512xf32, #tpu.memory_space<vmem>>, vector<16xf32>,
    %swap3A_102 = arith.constant 400 : index
    %swap3A_103 = tpu.vector_load %arg5[%swap3A_102] {strides = array<i32>} : memref<512xf32, #tpu.memory_space<vmem>>, vector<16xf32>,
    %swap3A_104 = vector.shape_cast %swap3A_103 : vector<16xf32> to vector<16xf32>
    %swap3A_105 = vector.shape_cast %get3A_2 : vector<16xf32> to vector<16xf32>
    tpu.vector_store %arg5[%swap3A_102], %swap3A_105 {strides = array<i32>} : memref<512xf32, #tpu.memory_space<vmem>>, vector<16xf32>,
    %swap3A_106 = arith.constant 416 : index
    %swap3A_107 = tpu.vector_load %arg5[%swap3A_106] {strides = array<i32>} : memref<512xf32, #tpu.memory_space<vmem>>, vector<16xf32>,
    %swap3A_108 = vector.shape_cast %swap3A_107 : vector<16xf32> to vector<16xf32>
    %swap3A_109 = vector.shape_cast %get3A_2 : vector<16xf32> to vector<16xf32>
    tpu.vector_store %arg5[%swap3A_106], %swap3A_109 {strides = array<i32>} : memref<512xf32, #tpu.memory_space<vmem>>, vector<16xf32>,
    %swap3A_110 = arith.constant 432 : index
    %swap3A_111 = tpu.vector_load %arg5[%swap3A_110] {strides = array<i32>} : memref<512xf32, #tpu.memory_space<vmem>>, vector<16xf32>,
    %swap3A_112 = vector.shape_cast %swap3A_111 : vector<16xf32> to vector<16xf32>
    %swap3A_113 = vector.shape_cast %get3A_2 : vector<16xf32> to vector<16xf32>
    tpu.vector_store %arg5[%swap3A_110], %swap3A_113 {strides = array<i32>} : memref<512xf32, #tpu.memory_space<vmem>>, vector<16xf32>,
    %swap3A_114 = arith.constant 448 : index
    %swap3A_115 = tpu.vector_load %arg5[%swap3A_114] {strides = array<i32>} : memref<512xf32, #tpu.memory_space<vmem>>, vector<16xf32>,
    %swap3A_116 = vector.shape_cast %swap3A_115 : vector<16xf32> to vector<16xf32>
    %swap3A_117 = vector.shape_cast %get3A_2 : vector<16xf32> to vector<16xf32>
    tpu.vector_store %arg5[%swap3A_114], %swap3A_117 {strides = array<i32>} : memref<512xf32, #tpu.memory_space<vmem>>, vector<16xf32>,
    %swap3A_118 = arith.constant 464 : index
    %swap3A_119 = tpu.vector_load %arg5[%swap3A_118] {strides = array<i32>} : memref<512xf32, #tpu.memory_space<vmem>>, vector<16xf32>,
    %swap3A_120 = vector.shape_cast %swap3A_119 : vector<16xf32> to vector<16xf32>
    %swap3A_121 = vector.shape_cast %get3A_2 : vector<16xf32> to vector<16xf32>
    tpu.vector_store %arg5[%swap3A_118], %swap3A_121 {strides = array<i32>} : memref<512xf32, #tpu.memory_space<vmem>>, vector<16xf32>,
    %swap3A_122 = arith.constant 480 : index
    %swap3A_123 = tpu.vector_load %arg5[%swap3A_122] {strides = array<i32>} : memref<512xf32, #tpu.memory_space<vmem>>, vector<16xf32>,
    %swap3A_124 = vector.shape_cast %swap3A_123 : vector<16xf32> to vector<16xf32>
    %swap3A_125 = vector.shape_cast %get3A_2 : vector<16xf32> to vector<16xf32>
    tpu.vector_store %arg5[%swap3A_122], %swap3A_125 {strides = array<i32>} : memref<512xf32, #tpu.memory_space<vmem>>, vector<16xf32>,
    %swap3A_126 = arith.constant 496 : index
    %swap3A_127 = tpu.vector_load %arg5[%swap3A_126] {strides = array<i32>} : memref<512xf32, #tpu.memory_space<vmem>>, vector<16xf32>,
    %swap3A_128 = vector.shape_cast %swap3A_127 : vector<16xf32> to vector<16xf32>
    %swap3A_129 = vector.shape_cast %get3A_2 : vector<16xf32> to vector<16xf32>
    tpu.vector_store %arg5[%swap3A_126], %swap3A_129 {strides = array<i32>} : memref<512xf32, #tpu.memory_space<vmem>>, vector<16xf32>,
    %mul3A_130 = arith.constant 512 : i32
    %mul3A_131 = arith.muli %add3A, %mul3A_130 : i32
    "tpu.region"() ({
      %run_scoped3A = tpu.sem_alloc : memref<!tpu.dma_semaphore, #tpu.memory_space<semaphore_mem>>
      %dma_start3A = tpu.memref_slice %arg3[%mul3A_131] : memref<16384xf32, #tpu.memory_space<hbm>> -> memref<512xf32, #tpu.memory_space<hbm>>
      %dma_start3A_132 = tpu.memref_slice %arg3[%mul3A_131] : memref<16384xf32, #tpu.memory_space<hbm>> -> memref<512xf32, #tpu.memory_space<hbm>>
      tpu.enqueue_dma source(%arg5 : memref<512xf32, #tpu.memory_space<vmem>>) target(%dma_start3A_132 : memref<512xf32, #tpu.memory_space<hbm>>) target_semaphore(%run_scoped3A : memref<!tpu.dma_semaphore, #tpu.memory_space<semaphore_mem>>)
      %dma_wait3A = tpu.memref_slice %arg3[%mul3A_131] : memref<16384xf32, #tpu.memory_space<hbm>> -> memref<512xf32, #tpu.memory_space<hbm>>
      %dma_wait3A_133 = tpu.memref_slice %arg3[%mul3A_131] : memref<16384xf32, #tpu.memory_space<hbm>> -> memref<512xf32, #tpu.memory_space<hbm>>
      tpu.wait_dma2 semaphore(%run_scoped3A : memref<!tpu.dma_semaphore, #tpu.memory_space<semaphore_mem>>) src(%arg5 : memref<512xf32, #tpu.memory_space<vmem>>) dst(%dma_wait3A_133 : memref<512xf32, #tpu.memory_space<hbm>>)
      tpu.yield
    }) : () -> ()
    return
  }
}

module attributes {stable_mosaic.version = 14 : i64} {
  func.func @_entropy_tc_kernel(%arg0: i32, %arg1: memref<1x2xf32, #tpu.memory_space<vmem>>, %arg2: memref<8x128xf32, #tpu.memory_space<vmem>>) attributes {dimension_semantics = [#tpu.dimension_semantics<arbitrary>], iteration_bounds = array<i64: 1>, scalar_prefetch = 0 : i64, scratch_operands = 0 : i64, tpu.core_type = #tpu.core_type<tc>, window_params = [{pipeline_mode = #tpu.pipeline_mode<synchronous>, transform_indices = @transform_0, window_bounds = array<i64: 1, 2>}, {pipeline_mode = #tpu.pipeline_mode<synchronous>, transform_indices = @transform_1, window_bounds = array<i64: 8, 128>}]} {
    %broadcast_in_dim3A = arith.constant 1.000000e+00 : f32
    %broadcast_in_dim3A_0 = vector.broadcast %broadcast_in_dim3A : f32 to vector<8x1024xf32>
    %add3A = arith.constant 9.99999993E-9 : f32
    %add3A_1 = vector.broadcast %add3A : f32 to vector<8x1024xf32>
    %add3A_2 = arith.addf %broadcast_in_dim3A_0, %add3A_1 : vector<8x1024xf32>
    %reduce_sum3A = arith.constant dense<0.000000e+00> : vector<8xf32>
    %reduce_sum3A_3 = vector.multi_reduction <add>, %add3A_2, %reduce_sum3A [1] : vector<8x1024xf32> to vector<8xf32>
    %broadcast_in_dim3A_4 = vector.shape_cast %reduce_sum3A_3 : vector<8xf32> to vector<8x1xf32>
    %div3A = vector.broadcast %broadcast_in_dim3A_4 : vector<8x1xf32> to vector<8x1024xf32>
    %div3A_5 = arith.divf %add3A_2, %div3A : vector<8x1024xf32>
    %get3A = arith.constant 0 : index
    %get3A_6 = arith.constant 0 : index
    %get3A_7 = vector.load %arg1[%get3A, %get3A_6] : memref<1x2xf32, #tpu.memory_space<vmem>>, vector<1x1xf32>
    %get3A_8 = vector.extract %get3A_7[0, 0] : f32 from vector<1x1xf32>
    %get3A_9 = arith.constant 0 : index
    %get3A_10 = arith.constant 1 : index
    %get3A_11 = vector.load %arg1[%get3A_9, %get3A_10] : memref<1x2xf32, #tpu.memory_space<vmem>>, vector<1x1xf32>
    %get3A_12 = vector.extract %get3A_11[0, 0] : f32 from vector<1x1xf32>
    %pow3A = vector.broadcast %get3A_8 : f32 to vector<8x1024xf32>
    %pow3A_13 = math.powf %div3A_5, %pow3A : vector<8x1024xf32>
    %reduce_sum3A_14 = arith.constant dense<0.000000e+00> : vector<8xf32>
    %reduce_sum3A_15 = vector.multi_reduction <add>, %pow3A_13, %reduce_sum3A_14 [1] : vector<8x1024xf32> to vector<8xf32>
    %broadcast_in_dim3A_16 = vector.shape_cast %reduce_sum3A_15 : vector<8xf32> to vector<8x1xf32>
    %sub3A = arith.constant 1.000000e+00 : f32
    %sub3A_17 = vector.broadcast %sub3A : f32 to vector<8x1xf32>
    %sub3A_18 = arith.subf %sub3A_17, %broadcast_in_dim3A_16 : vector<8x1xf32>
    %div3A_19 = vector.broadcast %get3A_12 : f32 to vector<8x1xf32>
    %div3A_20 = arith.divf %sub3A_18, %div3A_19 : vector<8x1xf32>
    %slice3A = vector.extract_strided_slice %div3A_20 {offsets = [0, 0], sizes = [1, 1], strides = [1, 1]} : vector<8x1xf32> to vector<1x1xf32>
    %squeeze3A = vector.extract %slice3A[0, 0] : f32 from vector<1x1xf32>
    %broadcast_in_dim3A_21 = vector.broadcast %squeeze3A : f32 to vector<8x128xf32>
    %swap3A = arith.constant 0 : index
    %swap3A_22 = arith.constant 0 : index
    %swap3A_23 = vector.load %arg2[%swap3A, %swap3A_22] : memref<8x128xf32, #tpu.memory_space<vmem>>, vector<8x128xf32>
    tpu.vector_store %arg2[%swap3A, %swap3A_22], %broadcast_in_dim3A_21 {strides = array<i32>} : memref<8x128xf32, #tpu.memory_space<vmem>>, vector<8x128xf32>,
    return
  }
  func.func @transform_0(%arg0: i32) -> (i32, i32) {
    %c0_i32 = arith.constant 0 : i32
    %c0_i32_0 = arith.constant 0 : i32
    %c0_i32_1 = arith.constant 0 : i32
    return %c0_i32, %c0_i32_0 : i32, i32
  }
  func.func @transform_1(%arg0: i32) -> (i32, i32) {
    %c0_i32 = arith.constant 0 : i32
    %c0_i32_0 = arith.constant 0 : i32
    %c0_i32_1 = arith.constant 0 : i32
    return %c0_i32, %c0_i32_0 : i32, i32
  }
}

</mosaic_0001>

<sc_bundles>
// kernel: kernel.4.cloned.1.call-start
scs
__scs_entry_jumppad:
0x0: {  	(pc) =	sbr.rel $0x88, $3  }
0x1: {  	(tag) =	ssettag $0x0;
	lr =	simm.s32 $0x1  }
0x2: {  	[smem:$0x3FA0] =	sst lr;
	_ =	strace $0xD0000000  }
0x3: {  	_ = 	snop  }
0x4: {  	_ = 	snop  }
0x5: {  	_ = 	snop  }
0x6: {  	_ = 	snop  }
0x7: {  	_ = 	snop  }
__scs_overlays_trampoline_lowered:
0x8: {  	[smem:$0x3FAF] =	sst s0  }
0x9: {  	[smem:$0x3FB0] =	sst s1  }
0xa: {  	[smem:$0x3FB1] =	sst s2  }
0xb: {  	[smem:$0x3FB2] =	sst s3  }
0xc: {  	[smem:$0x3FB3] =	sst s4  }
0xd: {  	[smem:$0x3FB4] =	sst s5  }
0xe: {  	[smem:$0x3FB5] =	sst s6  }
0xf: {  	[smem:$0x3FB6] =	sst s7  }
0x10: {  	[smem:$0x3FB7] =	sst s8  }
0x11: {  	[smem:$0x3FB8] =	sst s9;
	s0 =	simm.s32 @!p0 $0x0  }
0x12: {  	s1 =	sld [smem:$0x3F9E];
	s0 =	simm.s32 @p0 $0x1  }
0x13: {  	[smem:$0x3FB9] =	sst s0;
	s0 =	simm.s32 @!p1 $0x0  }
0x14: {  	s2 =	sld [smem:$0x3F9D];
	s0 =	simm.s32 @p1 $0x1  }
0x15: {  	[smem:$0x3FBA] =	sst s0;
	s0 =	simm.s32 @!p2 $0x0  }
0x16: {  	s3 =	sld [smem:$0x3FDB];
	s0 =	simm.s32 @p2 $0x1  }
0x17: {  	s4 =	simm.s32 $0x1BF5;
	[smem:$0x3FBC] =	sst s0  }
0x18: {  	s0 =	sld [smem:$0x3F9F];
	_ =	swait.ge [sflag:s4], $0x0  }
0x19: {  	s7 =	sld [smem:$0x3FA0]  }
0x1a: {  	s8 =	sadd.s32 $0xFFFFE003, lr  }
0x1b: {  	s9 =	sadd.s32 $0xFFFFFEF7, lr;
	s5 =	simm.s32 $0xFFFFFFFF;
	p2 =	slt.u32 s8, $0xFFFFF086  }
0x1c: {  	p1 =	slt.u32 s9, $0xF7A;
	s5 =	simm.s32 @!p2 $0x0  }
0x1d: {  	s5 =	simm.s32 @p1 $0x1;
	p0 =	seq.s32 s7, s2  }
0x1e: {  	s7 =	smul.u32 @!p0 $0xF7A, s2;
	p2 =	seq.s32 @!p0 s5, $0x0  }
0x1f: {  	s9 =	smul.u32 $0xF7A, s1;
	s8 =	simm.s32 @!p0 $0x1BF5;
	p2 =	por !p2, p0  }
0x20: {  	[sflag:s8] =	ssyncset.s32 @!p0 $0xFFFFF086;
	s6 =	sadd.s32 @!p0 s3, s7;
	s7 =	simm.s32 @!p0 $0x108  }
0x21: {  	s3 =	sadd.s32 s3, s9;
	s6 =	sadd.s32 @!p0 $0x88, s6;
	s7 =	simm.s32 @p2 $0x1082  }
0x22: {  	[simem:s7], [sflag:s8] =	dma.local @!p0 [hbm:s6], $0xF7A  }
0x23: {  	s9 =	sor.u32 $0xD0000000, s2;
	s6 =	simm.s32 $0x108;
	_ =	swait.ge @!p0 [sflag:s8], $0x0  }
0x24: {  	s3 =	sadd.s32 $0x88, s3;
	s6 =	simm.s32 @!p1 $0x1082;
	[sflag:s4] =	ssyncset.s32 $0xFFFFF086  }
0x25: {  	[simem:s6], [sflag:s4] =	dma.local [hbm:s3], $0xF7A  }
0x26: {  	[smem:$0x3FA0] =	sst s1;
	(tag) =	ssettag s2;
	_ =	strace s9  }
0x27: {  	s1 =	sld [smem:$0x3FB0]  }
0x28: {  	s2 =	sld [smem:$0x3FB1]  }
0x29: {  	s4 =	sld [smem:$0x3FB3]  }
0x2a: {  	p0 =	seq.s32 s5, $0x0;
	s5 =	sld [smem:$0x3FB4]  }
0x2b: {  	s6 =	sld [smem:$0x3FB5]  }
0x2c: {  	s7 =	sld [smem:$0x3FB6]  }
0x2d: {  	s3 =	simm.s32 $0x108;
	s8 =	sld [smem:$0x3FB7]  }
0x2e: {  	s3 =	simm.s32 @!p0 $0x1082;
	s9 =	sld [smem:$0x3FB8]  }
0x2f: {  	lr =	sadd.s32 s0, s3;
	s0 =	sld [smem:$0x3FAF]  }
0x30: {  	s3 =	sld [smem:$0x3FB2]  }
0x31: {  	[smem:$0x3FBB] =	sst s10  }
0x32: {  	s10 =	sld [smem:$0x3FB9];
	_ =	sdelay $0x3  }
0x33: {  	p0 =	seq.s32 s10, $0x1;
	s10 =	sld [smem:$0x3FBB];
	_ =	sdelay $0x3  }
0x34: {  	[smem:$0x3FBB] =	sst s10  }
0x35: {  	s10 =	sld [smem:$0x3FBA];
	_ =	sdelay $0x3  }
0x36: {  	p1 =	seq.s32 s10, $0x1;
	s10 =	sld [smem:$0x3FBB];
	_ =	sdelay $0x3  }
0x37: {  	[smem:$0x3FBB] =	sst s10  }
0x38: {  	s10 =	sld [smem:$0x3FBC]  }
0x39: {  	_ = 	snop;
	(pc) =	sbr.ind lr, $3  }
0x3a: {  	_ = 	snop  }
0x3b: {  	_ = 	snop  }
0x3c: {  	p2 =	seq.s32 s10, $0x1;
	s10 =	sld [smem:$0x3FBB]  }
0x3d: {  	_ =	shalt  }
0x3e: {  	_ =	shalt  }
0x3f: {  	_ =	shalt  }
0x40: {  	_ =	shalt  }
0x41: {  	_ =	shalt  }
0x42: {  	_ =	shalt  }
0x43: {  	_ =	shalt  }
0x44: {  	_ =	shalt  }
0x45: {  	_ =	shalt  }
0x46: {  	_ =	shalt  }
0x47: {  	_ =	shalt  }
0x48: {  	_ =	shalt  }
0x49: {  	_ =	shalt  }
0x4a: {  	_ =	shalt  }
0x4b: {  	_ =	shalt  }
0x4c: {  	_ =	shalt  }
0x4d: {  	_ =	shalt  }
0x4e: {  	_ =	shalt  }
0x4f: {  	_ =	shalt  }
0x50: {  	_ =	shalt  }
0x51: {  	_ =	shalt  }
0x52: {  	_ =	shalt  }
0x53: {  	_ =	shalt  }
0x54: {  	_ =	shalt  }
0x55: {  	_ =	shalt  }
0x56: {  	_ =	shalt  }
0x57: {  	_ =	shalt  }
0x58: {  	_ =	shalt  }
0x59: {  	_ =	shalt  }
0x5a: {  	_ =	shalt  }
0x5b: {  	_ =	shalt  }
0x5c: {  	_ =	shalt  }
0x5d: {  	_ =	shalt  }
0x5e: {  	_ =	shalt  }
0x5f: {  	_ =	shalt  }
0x60: {  	_ =	shalt  }
0x61: {  	_ =	shalt  }
0x62: {  	_ =	shalt  }
0x63: {  	_ =	shalt  }
0x64: {  	_ =	shalt  }
0x65: {  	_ =	shalt  }
0x66: {  	_ =	shalt  }
0x67: {  	_ =	shalt  }
0x68: {  	_ =	shalt  }
0x69: {  	_ =	shalt  }
0x6a: {  	_ =	shalt  }
0x6b: {  	_ =	shalt  }
0x6c: {  	_ =	shalt  }
0x6d: {  	_ =	shalt  }
0x6e: {  	_ =	shalt  }
0x6f: {  	_ =	shalt  }
0x70: {  	_ =	shalt  }
0x71: {  	_ =	shalt  }
0x72: {  	_ =	shalt  }
0x73: {  	_ =	shalt  }
0x74: {  	_ =	shalt  }
0x75: {  	_ =	shalt  }
0x76: {  	_ =	shalt  }
0x77: {  	_ =	shalt  }
0x78: {  	_ =	shalt  }
0x79: {  	_ =	shalt  }
0x7a: {  	_ =	shalt  }
0x7b: {  	_ =	shalt  }
0x7c: {  	_ =	shalt  }
0x7d: {  	_ =	shalt  }
0x7e: {  	_ =	shalt  }
0x7f: {  	_ =	shalt  }
0x80: {  	_ =	shalt  }
0x81: {  	_ =	shalt  }
0x82: {  	_ =	shalt  }
0x83: {  	_ =	shalt  }
0x84: {  	_ =	shalt  }
0x85: {  	_ =	shalt  }
0x86: {  	_ =	shalt  }
0x87: {  	_ =	shalt  }
.Lfunc_end0:
.L_simem_size_0:
called_computation_lowered:
.L_overlay_start_0:
0x88: {  	s2 =	sld [smem:$0x3FD9]  }
0x89: {  	s3 =	sld [smem:$0x3FFE];
	_ =	sdelay $0x1  }
0x8a: {  	s1 =	srdreg.scid  }
0x8b: {  	s0 =	sand.u32 $0x1, s1  }
0x8c: {  	s17 =	sshll.u32 s0, $0xA;
	s2 =	sadd.s32 s3, s2  }
0x8d: {  	s2 =	sadd.s32 s2, s17  }
0x8e: {  	[smem:$0x3FC7] =	sst s2  }
0x8f: {  	_ = 	snop  }
0x90: {  	s2 =	sld [smem:$0x3FD0];
	(tm) =	ssettm $0x1  }
0x91: {  	s18 =	sld [smem:$0x3FFB];
	_ =	sdelay $0x3  }
0x92: {  	_ =	strace s18  }
0x93: {  	s3 =	sld [smem:$0x3FFC];
	_ =	sdelay $0x3  }
0x94: {  	_ =	strace s3  }
0x95: {  	s3 =	sld [smem:$0x3FFD];
	_ =	sdelay $0x3  }
0x96: {  	_ =	strace s3  }
0x97: {  	_ =	strace $0x8FFFFFFF  }
0x98: {  	s19 =	sld [smem:$0x3FDB];
	_ =	sdelay $0x1  }
0x99: {  	s4 =	simm.s32 $_scs_section_size  }
0x9a: {  	s5 =	simm.s32 $_size__tile_overlayer_lowered;
	s6 =	simm.s32 $_tile_overlayer_lowered  }
0x9b: {  	s22 =	simm.s32 $0x1BFF;
	s21 =	sshll.u32 s6, $0x1;
	s3 =	sadd.s32 s4, s19  }
0x9c: {  	s7 =	simm.s32 $0x0;
	s20 =	sshll.u32 s5, $0x1;
	s5 =	sadd.s32 s21, s3  }
0x9d: {  	[timem:s7], [sflag:s22] =	dma.local [hbm:s5], s20  }
0x9e: {  	_ =	swait.ge [sflag:s22], s20  }
0x9f: {  	s4 =	ssub.s32 $0x0, s20;
	[sflag:s22] =	ssyncset.done $0x0  }
0xa0: {  	[sflag:s22] =	ssyncadd.s32 s4;
	_ =	sdelay $0x1  }
0xa1: {  	s23 =	simm.s32 $0x1B8B  }
0xa2: {  	_ =	swait.ge [sflag:s23], $0x1  }
0xa3: {  	[sflag:s23] =	ssyncset.done $0x0  }
0xa4: {  	s25 =	simm.s32 $0x1B8E;
	s24 =	sld [smem:$0x3FFE];
	[sflag:s23] =	ssyncadd.s32 $0xFFFFFFFF  }
0xa5: {  	s26 =	simm.s32 $execute0_lowered;
	[smem:$0x3FD2] =	sst s25  }
0xa6: {  	s5 =	sshll.u32 s26, $0x1;
	_ =	strace $0x80000046;
	[dreg:$0x1] =	wrdreg $0xFFFFFFFF  }
0xa7: {  	s28 =	simm.s32 $_size_execute0_lowered;
	s3 =	sadd.s32 s3, s5;
	[dreg:$0x0] =	wrdreg $0x0  }
0xa8: {  	s5 =	sshll.u32 s28, $0x1;
	[dreg:$0x2] =	wrdreg s3  }
0xa9: {  	[dreg:$0x3] =	wrdreg s5  }
0xaa: {  	[dreg:$0x4] =	wrdreg $0xC0  }
0xab: {  	_ =	task [dreg:s7], $0x5FFFF  }
0xac: {  	[dreg:$0x1] =	wrdreg $0xFFFFFFFF  }
0xad: {  	[dreg:$0x0] =	wrdreg $0x60  }
0xae: {  	[dreg:$0x2] =	wrdreg s24  }
0xaf: {  	[dreg:$0x3] =	wrdreg s2  }
0xb0: {  	[dreg:$0x4] =	wrdreg $0x9  }
0xb1: {  	_ =	task.clear_ibuf [dreg:s7], $0x5FFFF;
	_ =	strace $0x90000046  }
0xb2: {  	s29 =	simm.s32 $0x9;
	_ =	strace $0x80000048  }
0xb3: {  	_ =	swait.ge [sflag:s29], $0x1  }
0xb4: {  	[sflag:s29] =	ssyncadd.s32 $0xFFFFFFFF  }
0xb5: {  	_ =	strace $0x90000048  }
0xb6: {  	_ =	sfence  }
0xb7: {  	s30 =	sld [smem:$0x0];
	_ =	sdelay $0x2  }
0xb8: {  	s31 =	sshll.u32 s1, $0xD;
	s1 =	sshrl.u32 s1, $0x2  }
0xb9: {  	s3 =	sand.u32 $0x4000, s31;
	s1 =	sadd.s32 s1, s30  }
0xba: {  	s0 =	sor.u32 s3, s0;
	s1 =	sshll.u32 s1, $0x11  }
0xbb: {  	s0 =	sor.u32 s1, s0  }
0xbc: {  	s0 =	sadd.s32 $0x8F2B, s0  }
0xbd: {  	[sflag:s0] =	ssyncadd.remote.s32 $0x1  }
0xbe: {  	_ =	sfence.sel $0xFFFF  }
0xbf: {  	[dreg:$0x0] =	wrdreg $0xFFFFFFFF;
	(pc) =	sbr.abs _section_cstart, $3  }
0xc0: {  	[dreg:$0x1] =	wrdreg $0xFFFFFFFF  }
0xc1: {  	_ =	task.clear_ibuf [dreg:s7], $0x2FFFF;
	_ =	strace $0x9FFFFFFF  }
0xc2: {  	(tm) =	ssettm $0x7FFFFFFF  }
0xc3: {  	_ =	shalt  }
tec
execute0_lowered:
.L_overlay_start_1:
0x0: {  	(tag) =	ssettag $0x1  }
0x1: {  	s2 =	rddreg [dreg:$0x0]  }
0x2: {  	s4 =	rddreg [dreg:$0x1]  }
0x3: {  	s0 =	rddreg [dreg:$0x2];
	s1 =	simm.s32 $0x0  }
0x4: {  	[smem:$0x7FF] =	sst s1  }
0x5: {  	s6 =	sadd.s32 $0x400, s2;
	s2 =	simm.s32 $0x1;
	_ =	strace $0x80000047  }
0x6: {  	[tilespmem:s1], [sflag:$0x1] =	stream.linear.gather [hbm4b:s6+s1], $0x10, $0x38;
	[tilespmem:$0x280] =	vst v63  }
0x7: {  	s3 =	srdreg.scid;
	_ =	swait.ge [sflag:s2], $0x10  }
0x8: {  	s5 =	sand.u32 $0x1, s3;
	[sflag:s2] =	ssyncset.done $0x0  }
0x9: {  	s3 =	ssub.s32 $0x2, s5;
	[sflag:s2] =	ssyncadd.s32 $0xFFFFFFF0  }
0xa: {  	s7 =	sshrl.u32 s3, $0x1;
	v0 =	vld [tilespmem:$0x0]  }
0xb: {  	s7 =	ssub.s32 s3, s7  }
0xc: {  	s7 =	smax.u32 s7, $0x1  }
0xd: {  	p0 =	sne.s32 s7, $0x1  }
.Ltmp0:
0xe: {  	_ = 	snop;
	(pc) =	sbr.rel @!p0 .LBB2_2-.Ltmp0, $4  }
0xf: {  	[tilespmem:$0x270] =	vst v0  }
0x10: {  	s5 =	sshll.u32 s5, $0x6;
	s3 =	stileid.u32;
	[tilespmem:$0x260] =	vst v0  }
0x11: {  	s4 =	sadd.s32 s4, s5;
	s31 =	sshll.u32 s3, $0x7;
	[tilespmem:$0x250] =	vst v0  }
0x12: {  	s5 =	simm.s32 $0x80;
	s4 =	sadd.s32 s31, s4;
	s7 =	sadd.s32 $0xFFFFFFFF, s7;
	[tilespmem:$0x240] =	vst v0  }
.LBB2_1:
0x13: {  	p0 =	sne.s32 s7, $0x1;
	s7 =	sadd.s32 $0xFFFFFFFF, s7;
	[tilespmem:$0x230] =	vst v0  }
0x14: {  	[tilespmem:$0x220] =	vst v0  }
0x15: {  	[tilespmem:$0x210] =	vst v0  }
0x16: {  	[tilespmem:$0x200] =	vst v0  }
0x17: {  	[tilespmem:$0x1F0] =	vst v0  }
0x18: {  	[tilespmem:$0x1E0] =	vst v0  }
0x19: {  	[tilespmem:$0x1D0] =	vst v0  }
0x1a: {  	[tilespmem:$0x1C0] =	vst v0  }
0x1b: {  	[tilespmem:$0x1B0] =	vst v0  }
0x1c: {  	[tilespmem:$0x1A0] =	vst v0  }
0x1d: {  	[tilespmem:$0x190] =	vst v0  }
0x1e: {  	[tilespmem:$0x180] =	vst v0  }
0x1f: {  	[tilespmem:$0x170] =	vst v0  }
0x20: {  	[tilespmem:$0x160] =	vst v0  }
0x21: {  	[tilespmem:$0x150] =	vst v0  }
0x22: {  	[tilespmem:$0x140] =	vst v0  }
0x23: {  	[tilespmem:$0x130] =	vst v0  }
0x24: {  	[tilespmem:$0x120] =	vst v0  }
0x25: {  	[tilespmem:$0x110] =	vst v0  }
0x26: {  	[tilespmem:$0x100] =	vst v0  }
0x27: {  	[tilespmem:$0xF0] =	vst v0  }
0x28: {  	[tilespmem:$0xE0] =	vst v0  }
0x29: {  	[tilespmem:$0xD0] =	vst v0  }
0x2a: {  	[tilespmem:$0xC0] =	vst v0  }
0x2b: {  	[tilespmem:$0xB0] =	vst v0  }
0x2c: {  	[tilespmem:$0xA0] =	vst v0  }
0x2d: {  	[tilespmem:$0x80] =	vst v0  }
0x2e: {  	[tilespmem:$0x90] =	vst v0  }
0x2f: {  	[hbm4b:s4+s1] =	stream.linear.scatter [tilespmem:s5], [sflag:$0x1], $0x200, $0x38;
	[tilespmem:$0x280] =	vst v63  }
0x30: {  	_ =	swait.ge [sflag:s2], $0x200  }
0x31: {  	[sflag:s2] =	ssyncset.done $0x0  }
0x32: {  	[sflag:s2] =	ssyncadd.s32 $0xFFFFFE00  }
0x33: {  	[tilespmem:s1], [sflag:$0x1] =	stream.linear.gather [hbm4b:s6+s1], $0x10, $0x38;
	[tilespmem:$0x280] =	vst v63  }
0x34: {  	_ =	swait.ge [sflag:s2], $0x10  }
0x35: {  	[sflag:s2] =	ssyncset.done $0x0  }
0x36: {  	[sflag:s2] =	ssyncadd.s32 $0xFFFFFFF0  }
0x37: {  	v0 =	vld [tilespmem:$0x0];
	_ =	sdelay $0x3  }
.Ltmp1:
0x38: {  	(pc) =	sbr.rel @p0 .LBB2_1-.Ltmp1, $4  }
0x39: {  	[tilespmem:$0x270] =	vst v0  }
0x3a: {  	[tilespmem:$0x260] =	vst v0  }
0x3b: {  	[tilespmem:$0x250] =	vst v0  }
0x3c: {  	[tilespmem:$0x240] =	vst v0  }
.LBB2_2:
0x3d: {  	[tilespmem:$0x230] =	vst v0  }
0x3e: {  	[tilespmem:$0x220] =	vst v0  }
0x3f: {  	[tilespmem:$0x210] =	vst v0  }
0x40: {  	[tilespmem:$0x200] =	vst v0  }
0x41: {  	[tilespmem:$0x1F0] =	vst v0  }
0x42: {  	[tilespmem:$0x1E0] =	vst v0  }
0x43: {  	[tilespmem:$0x1D0] =	vst v0  }
0x44: {  	[tilespmem:$0x1C0] =	vst v0  }
0x45: {  	[tilespmem:$0x1B0] =	vst v0  }
0x46: {  	[tilespmem:$0x1A0] =	vst v0  }
0x47: {  	[tilespmem:$0x190] =	vst v0  }
0x48: {  	[tilespmem:$0x180] =	vst v0  }
0x49: {  	[tilespmem:$0x170] =	vst v0  }
0x4a: {  	[tilespmem:$0x160] =	vst v0  }
0x4b: {  	[tilespmem:$0x150] =	vst v0  }
0x4c: {  	[tilespmem:$0x140] =	vst v0  }
0x4d: {  	[tilespmem:$0x130] =	vst v0  }
0x4e: {  	[tilespmem:$0x120] =	vst v0  }
0x4f: {  	[tilespmem:$0x110] =	vst v0  }
0x50: {  	[tilespmem:$0x100] =	vst v0  }
0x51: {  	[tilespmem:$0xF0] =	vst v0  }
0x52: {  	[tilespmem:$0xE0] =	vst v0  }
0x53: {  	[tilespmem:$0xD0] =	vst v0  }
0x54: {  	[tilespmem:$0xC0] =	vst v0  }
0x55: {  	[tilespmem:$0xB0] =	vst v0  }
0x56: {  	[tilespmem:$0xA0] =	vst v0  }
0x57: {  	[tilespmem:$0x80] =	vst v0  }
0x58: {  	[tilespmem:$0x90] =	vst v0  }
0x59: {  	[hbm4b:s4+s1] =	stream.linear.scatter [tilespmem:s5], [sflag:$0x1], $0x200, $0x38;
	[tilespmem:$0x280] =	vst v63  }
0x5a: {  	_ =	swait.ge [sflag:s2], $0x200  }
0x5b: {  	[sflag:s2] =	ssyncset.done $0x0  }
0x5c: {  	[sflag:s2] =	ssyncadd.s32 $0xFFFFFE00  }
0x5d: {  	_ =	sfence.sel $0x180000  }
0x5e: {  	[bflag:$0x0] =	sbarrier.arrive $0xFFFF  }
0x5f: {  	p0 =	sne.s32 s3, $0x0;
	_ =	strace $0x90000047  }
0x60: {  	s0 =	sadd.s32 @!p0 $0x100000, s0;
	[bflag:$0x2] =	sbarrier.arrive $0xFFFF  }
0x61: {  	[sflag:s0] =	ssyncadd.tile.s32 @!p0 $0x1;
	_ =	shalt  }
.Lfunc_end2:
_tile_overlayer_lowered:
.L_overlay_start_2:
0x62: {  	(tag) =	ssettag $0x2  }
0x63: {  	s0 =	rddreg [dreg:$0x0];
	s2 =	stileid.u32  }
0x64: {  	s1 =	rddreg [dreg:$0x1];
	p0 =	sne.s32 s2, $0x0  }
0x65: {  	s3 =	rddreg [dreg:$0x2];
	[bflag:$0x3] =	sbarrier.arrive $0xFFFF;
	s2 =	simm.s32 @!p0 $0x1C01  }
0x66: {  	[timem:s3], [sflag:s2] =	dma.local @!p0 [hbm:s0], s1  }
0x67: {  	s0 =	simm.s32 @!p0 $0x1  }
0x68: {  	_ =	swait.ge @!p0 [sflag:s0], s1  }
0x69: {  	s1 =	ssub.s32 @!p0 $0x0, s1;
	[sflag:s0] =	ssyncset.done @!p0 $0x0  }
0x6a: {  	[sflag:s0] =	ssyncadd.s32 @!p0 s1  }
0x6b: {  	[bflag:$0x3] =	sbarrier.arrive $0xFFFF  }
0x6c: {  	_ =	shalt  }

</sc_bundles>
